<compile_context>
chip_gen: v7x
topology: tpu7x:2x2x1
jax: 0.10.2.dev20260603
libtpu: 0.0.44.dev20260713+nightly
codegen_flags: <defaults>
</compile_context>

<pallas_src>
import functools

import jax
import jax.numpy as jnp
from jax import lax
from jax.experimental import pallas as pl
from jax.experimental.pallas import tpu as pltpu
from jax.experimental.pallas import tpu_sc as plsc

B, T = 16, 576
N = B * T
K = 8192
D = 64
BN = 2304
NBLK = N // BN
BK = 1024
NCHUNK = K // BK
DA = 72
TBL_ROWS = K + BK
LOSS_W = 1.25 / D

SC_CORES = 2
SC_SUBCORES = 16
NW = SC_CORES * SC_SUBCORES
BPW = N // NW


def _argmin_body(xr_ref, cb_ref, mask_ref, ind_ref, indg_ref, tbl_ref,
                 loss_ref, cba_ref, acc_ref):
    i = pl.program_id(0)

    @pl.when(i == 0)
    def _():
        cbb = cb_ref[...]
        cp = jnp.sum(cbb * cbb, axis=1, keepdims=True)
        ch, cm, cl = _bf16_exact_split3(cp)
        onek = jnp.ones((K, 1), jnp.float32)
        zk = jnp.zeros((K, DA - D - 6), jnp.float32)
        cba_ref[...] = jnp.concatenate(
            [-2.0 * cbb, onek, onek, onek, ch, cm, cl, zk], axis=1)
        tbl_ref[:K, :] = jnp.concatenate(
            [cbb, jnp.zeros((K, D), jnp.float32)], axis=1)
        tbl_ref[K:, :] = jnp.zeros((TBL_ROWS - K, 2 * D), jnp.float32)

    xt = xr_ref[...].T
    xp = jnp.sum(xt * xt, axis=0, keepdims=True)
    xh, xm, xl = _bf16_exact_split3(xp)
    one_r = jnp.ones((1, BN), jnp.float32)
    zero_r = jnp.zeros((1, BN), jnp.float32)
    xa = jnp.concatenate(
        [xt, xh, xm, xl, one_r, one_r, one_r, zero_r, zero_r], axis=0)

    iota_sub = lax.broadcasted_iota(jnp.int32, (BK, BN), 0)
    best_val = jnp.full((1, BN), jnp.inf, dtype=jnp.float32)
    best_idx = jnp.zeros((1, BN), dtype=jnp.int32)
    for c in range(NCHUNK):
        cba_c = cba_ref[c * BK:(c + 1) * BK, :]
        s = jnp.dot(cba_c, xa, preferred_element_type=jnp.float32)
        cmin = jnp.min(s, axis=0, keepdims=True)
        cand = jnp.where(s == cmin, iota_sub, BK)
        amin = jnp.min(cand, axis=0, keepdims=True) + c * BK
        upd = cmin < best_val
        best_idx = jnp.where(upd, amin, best_idx)
        best_val = jnp.where(upd, cmin, best_val)

    m = mask_ref[0, 0, :].astype(jnp.int32)
    bi = best_idx[0, :]
    ind_ref[0, 0, :] = bi * m
    indg_ref[0, 0, :] = jnp.where(m != 0, bi, K)
    mf = m.astype(jnp.float32)
    best_true = jnp.maximum(best_val[0, :], 0.0)

    @pl.when(i == 0)
    def _():
        acc_ref[0] = 0.0
        acc_ref[1] = 0.0

    acc_ref[0] += jnp.sum(best_true * mf)
    acc_ref[1] += jnp.sum(mf)

    @pl.when(i == NBLK - 1)
    def _():
        loss_ref[0, 0] = acc_ref[0] * LOSS_W / jnp.maximum(acc_ref[1], 1.0)


def _argmin_call(xr, cb, mask3):
    return pl.pallas_call(
        _argmin_body,
        grid=(NBLK,),
        in_specs=[
            pl.BlockSpec((BN, D), lambda i: (i, 0)),
            pl.BlockSpec((K, D), lambda i: (0, 0)),
            pl.BlockSpec((1, 1, BN), lambda i: (i, 0, 0)),
        ],
        out_specs=[
            pl.BlockSpec((1, 1, BN), lambda i: (i, 0, 0)),
            pl.BlockSpec((1, 1, BN), lambda i: (i, 0, 0)),
            pl.BlockSpec((TBL_ROWS, 2 * D), lambda i: (0, 0)),
            pl.BlockSpec((1, 1), lambda i: (0, 0), memory_space=pltpu.SMEM),
        ],
        out_shape=[
            jax.ShapeDtypeStruct((NBLK, 1, BN), jnp.int32),
            jax.ShapeDtypeStruct((NBLK, 1, BN), jnp.int32),
            jax.ShapeDtypeStruct((TBL_ROWS, 2 * D), jnp.float32),
            jax.ShapeDtypeStruct((1, 1), jnp.float32),
        ],
        scratch_shapes=[
            pltpu.VMEM((K, DA), jnp.float32),
            pltpu.SMEM((2,), jnp.float32),
        ],
    )(xr, cb, mask3)


def _gather_body(table_hbm, idx_hbm, out_hbm, idx_v, rows_v, sem):
    wid = lax.axis_index("s") * SC_CORES + lax.axis_index("c")
    base = wid * BPW
    pltpu.sync_copy(idx_hbm.at[pl.ds(base, BPW)], idx_v)
    pltpu.async_copy(table_hbm.at[idx_v], rows_v, sem).wait()
    pltpu.sync_copy(rows_v, out_hbm.at[pl.ds(base, BPW)])


def _gather_call(table, idx):
    mesh = plsc.VectorSubcoreMesh(core_axis_name="c", subcore_axis_name="s")
    fn = functools.partial(
        pl.kernel,
        mesh=mesh,
        out_type=jax.ShapeDtypeStruct((N, 2 * D), jnp.float32),
        scratch_types=[
            pltpu.VMEM((BPW,), jnp.int32),
            pltpu.VMEM((BPW, 2 * D), jnp.float32),
            pltpu.SemaphoreType.DMA,
        ],
    )(_gather_body)
    return fn(table, idx)


def _bf16_exact_split3(v):
    msk = jnp.int32(-65536)
    hi = lax.bitcast_convert_type(
        lax.bitcast_convert_type(v, jnp.int32) & msk, jnp.float32)
    r1 = v - hi
    mid = lax.bitcast_convert_type(
        lax.bitcast_convert_type(r1, jnp.int32) & msk, jnp.float32)
    lo = r1 - mid
    return hi, mid, lo


def kernel(x, mask, codebooks):
    x2d = x.reshape(N, D)
    mask3 = mask.reshape(NBLK, 1, BN)
    ind3, indg3, table, loss11 = _argmin_call(x2d, codebooks, mask3)
    q = _gather_call(table, indg3.reshape(N))
    return (
        ind3.reshape(B, T),
        q[:, :D].reshape(B, T, D),
        loss11[0, 0],
    )

# --- scband reference (transcript-rebuilt; emitter-appended) ---
"""Pipeline reference for scband-simple-vector-quantizer-13915694039130 (READ-ONLY COPY).

The authoritative reference and input builder live on the scoring server;
editing this copy changes nothing except your own understanding.
"""

import jax, jax.numpy as jnp
import numpy as np

CODEBOOK_SIZE = 8192
DIM = 64
COMMIT_W = 0.25
CODEBOOK_W = 1.0


def setup_inputs(seed: int = 0) -> dict:
    key = jax.random.key(seed)
    k1, k2 = jax.random.split(key)
    x = jax.random.normal(k1, (16, 576, DIM), dtype=jnp.float32)
    mask = jnp.ones((16, 576), dtype=bool)
    codebooks = jax.random.uniform(k2, (CODEBOOK_SIZE, DIM), dtype=jnp.float32) * 2.0 - 1.0
    return {"x": x, "mask": mask, "codebooks": codebooks}


def reference(x, mask, codebooks):
    # pairwise distances: ||x||^2 + ||c||^2 - 2 x.c
    x_pow = jnp.sum(x * x, axis=-1)[..., None]            # [b, t, 1]
    c_pow = jnp.sum(codebooks * codebooks, axis=-1)[None, None, :]  # [1, 1, K]
    xc = x @ codebooks.T                                   # [b, t, K]
    distance = jnp.sqrt(jnp.maximum(x_pow + c_pow - 2.0 * xc, 0.0))
    ind = jnp.argmin(distance, axis=-1)                    # [b, t]
    codebook_quantized = codebooks[ind]                    # gather [b, t, d]
    quantized = jax.lax.stop_gradient(codebook_quantized - x) + x  # straight-through
    commit_loss = jnp.mean((jax.lax.stop_gradient(codebook_quantized) - x) ** 2, axis=-1) * COMMIT_W
    codebook_loss = jnp.mean((codebook_quantized - jax.lax.stop_gradient(x)) ** 2, axis=-1) * CODEBOOK_W
    m = mask.astype(jnp.float32)
    loss = jnp.sum((commit_loss + codebook_loss) * m) / jnp.maximum(jnp.sum(m), 1.0)
    ind_masked = ind * mask.astype(ind.dtype)
    quantized_masked = quantized * m[..., None]
    return (ind_masked, quantized_masked, loss)

if __name__ == "__main__":
    import jax
    _d = setup_inputs()
    print(jax.jit(kernel)(*tuple(_d.values())))

</pallas_src>

<mosaic_0001>
#map = affine_map<(d0, d1) -> (0, 0)>
#map1 = affine_map<(d0, d1) -> (0)>
module attributes {stable_mosaic.version = 14 : i64} {
  func.func @_gather_body(%arg0: i32, %arg1: i32, %arg2: memref<9216x128xf32, #tpu.memory_space<hbm>>, %arg3: memref<9216xi32, #tpu.memory_space<hbm>>, %arg4: memref<9216x128xf32, #tpu.memory_space<hbm>>, %arg5: memref<288xi32, #tpu.memory_space<vmem>>, %arg6: memref<288x128xf32, #tpu.memory_space<vmem>>, %arg7: memref<!tpu.dma_semaphore, #tpu.memory_space<semaphore_mem>>) attributes {dimension_semantics = [#tpu.dimension_semantics<core_parallel>, #tpu.dimension_semantics<subcore_parallel>], iteration_bounds = array<i64: 2, 16>, scalar_prefetch = 0 : i64, scratch_operands = 3 : i64, tpu.core_type = #tpu.core_type<sc_vector_subcore>, window_params = [{transform_indices = #map}, {transform_indices = #map1}, {transform_indices = #map}]} {
    %mul3A = arith.constant 2 : i32
    %mul3A_0 = arith.muli %arg1, %mul3A : i32
    %add3A = arith.addi %mul3A_0, %arg0 : i32
    %mul3A_1 = arith.constant 288 : i32
    %mul3A_2 = arith.muli %add3A, %mul3A_1 : i32
    "tpu.region"() ({
      %run_scoped3A = tpu.sem_alloc : memref<!tpu.dma_semaphore, #tpu.memory_space<semaphore_mem>>
      %dma_start3A_7 = tpu.memref_slice %arg3[%mul3A_2] : memref<9216xi32, #tpu.memory_space<hbm>> -> memref<288xi32, #tpu.memory_space<hbm>>
      %dma_start3A_8 = tpu.memref_slice %arg3[%mul3A_2] : memref<9216xi32, #tpu.memory_space<hbm>> -> memref<288xi32, #tpu.memory_space<hbm>>
      tpu.enqueue_dma source(%dma_start3A_8 : memref<288xi32, #tpu.memory_space<hbm>>) target(%arg5 : memref<288xi32, #tpu.memory_space<vmem>>) target_semaphore(%run_scoped3A : memref<!tpu.dma_semaphore, #tpu.memory_space<semaphore_mem>>)
      %dma_wait3A_9 = tpu.memref_slice %arg3[%mul3A_2] : memref<9216xi32, #tpu.memory_space<hbm>> -> memref<288xi32, #tpu.memory_space<hbm>>
      %dma_wait3A_10 = tpu.memref_slice %arg3[%mul3A_2] : memref<9216xi32, #tpu.memory_space<hbm>> -> memref<288xi32, #tpu.memory_space<hbm>>
      tpu.wait_dma2 semaphore(%run_scoped3A : memref<!tpu.dma_semaphore, #tpu.memory_space<semaphore_mem>>) src(%dma_wait3A_10 : memref<288xi32, #tpu.memory_space<hbm>>) dst(%arg5 : memref<288xi32, #tpu.memory_space<vmem>>)
      tpu.yield
    }) : () -> ()
    %dma_start3A = arith.constant 0 : i32
    %dma_start3A_3 = arith.constant 0 : i32
    %dma_start3A_4 = tpu.memref_slice %arg2[%dma_start3A, %dma_start3A_3] : memref<9216x128xf32, #tpu.memory_space<hbm>> -> memref<9216x128xf32, #tpu.memory_space<hbm>>
    tpu.enqueue_indirect_dma source(%dma_start3A_4 : memref<9216x128xf32, #tpu.memory_space<hbm>>) target(%arg6 : memref<288x128xf32, #tpu.memory_space<vmem>>) offsets(%arg5 : memref<288xi32, #tpu.memory_space<vmem>>) semaphore(%arg7 : memref<!tpu.dma_semaphore, #tpu.memory_space<semaphore_mem>>)
    %dma_wait3A = arith.constant 0 : i32
    %dma_wait3A_5 = arith.constant 0 : i32
    %dma_wait3A_6 = tpu.memref_slice %arg2[%dma_wait3A, %dma_wait3A_5] : memref<9216x128xf32, #tpu.memory_space<hbm>> -> memref<9216x128xf32, #tpu.memory_space<hbm>>
    tpu.wait_indirect_dma semaphore(%arg7 : memref<!tpu.dma_semaphore, #tpu.memory_space<semaphore_mem>>) src(%dma_wait3A_6 : memref<9216x128xf32, #tpu.memory_space<hbm>>) dst(%arg6 : memref<288x128xf32, #tpu.memory_space<vmem>>)
    "tpu.region"() ({
      %run_scoped3A = tpu.sem_alloc : memref<!tpu.dma_semaphore, #tpu.memory_space<semaphore_mem>>
      %dma_start3A_7 = arith.constant 0 : i32
      %dma_start3A_8 = tpu.memref_slice %arg4[%mul3A_2, %dma_start3A_7] : memref<9216x128xf32, #tpu.memory_space<hbm>> -> memref<288x128xf32, #tpu.memory_space<hbm>>
      %dma_start3A_9 = arith.constant 0 : i32
      %dma_start3A_10 = tpu.memref_slice %arg4[%mul3A_2, %dma_start3A_9] : memref<9216x128xf32, #tpu.memory_space<hbm>> -> memref<288x128xf32, #tpu.memory_space<hbm>>
      tpu.enqueue_dma source(%arg6 : memref<288x128xf32, #tpu.memory_space<vmem>>) target(%dma_start3A_10 : memref<288x128xf32, #tpu.memory_space<hbm>>) target_semaphore(%run_scoped3A : memref<!tpu.dma_semaphore, #tpu.memory_space<semaphore_mem>>)
      %dma_wait3A_11 = arith.constant 0 : i32
      %dma_wait3A_12 = tpu.memref_slice %arg4[%mul3A_2, %dma_wait3A_11] : memref<9216x128xf32, #tpu.memory_space<hbm>> -> memref<288x128xf32, #tpu.memory_space<hbm>>
      %dma_wait3A_13 = arith.constant 0 : i32
      %dma_wait3A_14 = tpu.memref_slice %arg4[%mul3A_2, %dma_wait3A_13] : memref<9216x128xf32, #tpu.memory_space<hbm>> -> memref<288x128xf32, #tpu.memory_space<hbm>>
      tpu.wait_dma2 semaphore(%run_scoped3A : memref<!tpu.dma_semaphore, #tpu.memory_space<semaphore_mem>>) src(%arg6 : memref<288x128xf32, #tpu.memory_space<vmem>>) dst(%dma_wait3A_14 : memref<288x128xf32, #tpu.memory_space<hbm>>)
      tpu.yield
    }) : () -> ()
    return
  }
}

module attributes {stable_mosaic.version = 14 : i64} {
  func.func @_argmin_body(%arg0: i32, %arg1: memref<2304x64xf32, #tpu.memory_space<vmem>>, %arg2: memref<8192x64xf32, #tpu.memory_space<vmem>>, %arg3: memref<1x1x2304xi32, #tpu.memory_space<vmem>>, %arg4: memref<1x1x2304xi32, #tpu.memory_space<vmem>>, %arg5: memref<1x1x2304xi32, #tpu.memory_space<vmem>>, %arg6: memref<9216x128xf32, #tpu.memory_space<vmem>>, %arg7: memref<1x1xf32, #tpu.memory_space<smem>>, %arg8: memref<8192x72xf32, #tpu.memory_space<vmem>>, %arg9: memref<2xf32, #tpu.memory_space<smem>>) attributes {dimension_semantics = [#tpu.dimension_semantics<arbitrary>], iteration_bounds = array<i64: 4>, scalar_prefetch = 0 : i64, scratch_operands = 2 : i64, tpu.core_type = #tpu.core_type<tc>, window_params = [{transform_indices = @transform_0, window_bounds = array<i64: 2304, 64>}, {pipeline_mode = #tpu.pipeline_mode<synchronous>, transform_indices = @transform_1, window_bounds = array<i64: 8192, 64>}, {transform_indices = @transform_2, window_bounds = array<i64: 1, 1, 2304>}, {transform_indices = @transform_3, window_bounds = array<i64: 1, 1, 2304>}, {transform_indices = @transform_4, window_bounds = array<i64: 1, 1, 2304>}, {pipeline_mode = #tpu.pipeline_mode<synchronous>, transform_indices = @transform_5, window_bounds = array<i64: 9216, 128>}, {transform_indices = @transform_6, window_bounds = array<i64: 1, 1>}]} {
    %eq3A = arith.constant 0 : i32
    %eq3A_0 = arith.cmpi eq, %arg0, %eq3A : i32
    %convert_element_type3A = arith.extui %eq3A_0 : i1 to i32
    %cond3A = arith.constant 0 : i32
    %cond3A_1 = arith.cmpi ne, %convert_element_type3A, %cond3A : i32
    scf.if %cond3A_1 {
      %get3A_252 = arith.constant 0 : index
      %get3A_253 = arith.constant 0 : index
      %get3A_254 = vector.load %arg2[%get3A_252, %get3A_253] : memref<8192x64xf32, #tpu.memory_space<vmem>>, vector<8192x64xf32>
      %mul3A_255 = arith.mulf %get3A_254, %get3A_254 : vector<8192x64xf32>
      %reduce_sum3A_256 = arith.constant dense<0.000000e+00> : vector<8192xf32>
      %reduce_sum3A_257 = vector.multi_reduction <add>, %mul3A_255, %reduce_sum3A_256 [1] : vector<8192x64xf32> to vector<8192xf32>
      %broadcast_in_dim3A_258 = vector.shape_cast %reduce_sum3A_257 : vector<8192xf32> to vector<8192x1xf32>
      %bitcast_convert_type3A_259 = tpu.bitcast %broadcast_in_dim3A_258 : vector<8192x1xf32> -> vector<8192x1xi32>
      %and3A_260 = arith.constant -65536 : i32
      %and3A_261 = vector.broadcast %and3A_260 : i32 to vector<8192x1xi32>
      %and3A_262 = arith.andi %bitcast_convert_type3A_259, %and3A_261 : vector<8192x1xi32>
      %bitcast_convert_type3A_263 = tpu.bitcast %and3A_262 : vector<8192x1xi32> -> vector<8192x1xf32>
      %sub3A_264 = arith.subf %broadcast_in_dim3A_258, %bitcast_convert_type3A_263 : vector<8192x1xf32>
      %bitcast_convert_type3A_265 = tpu.bitcast %sub3A_264 : vector<8192x1xf32> -> vector<8192x1xi32>
      %and3A_266 = arith.constant -65536 : i32
      %and3A_267 = vector.broadcast %and3A_266 : i32 to vector<8192x1xi32>
      %and3A_268 = arith.andi %bitcast_convert_type3A_265, %and3A_267 : vector<8192x1xi32>
      %bitcast_convert_type3A_269 = tpu.bitcast %and3A_268 : vector<8192x1xi32> -> vector<8192x1xf32>
      %sub3A_270 = arith.subf %sub3A_264, %bitcast_convert_type3A_269 : vector<8192x1xf32>
      %broadcast_in_dim3A_271 = arith.constant 1.000000e+00 : f32
      %broadcast_in_dim3A_272 = vector.broadcast %broadcast_in_dim3A_271 : f32 to vector<8192x1xf32>
      %broadcast_in_dim3A_273 = arith.constant 0.000000e+00 : f32
      %broadcast_in_dim3A_274 = vector.broadcast %broadcast_in_dim3A_273 : f32 to vector<8192x2xf32>
      %mul3A_275 = arith.constant -2.000000e+00 : f32
      %mul3A_276 = vector.broadcast %mul3A_275 : f32 to vector<8192x64xf32>
      %mul3A_277 = arith.mulf %mul3A_276, %get3A_254 : vector<8192x64xf32>
      %concatenate3A_278 = tpu.concatenate %mul3A_277, %broadcast_in_dim3A_272, %broadcast_in_dim3A_272, %broadcast_in_dim3A_272, %bitcast_convert_type3A_263, %bitcast_convert_type3A_269, %sub3A_270, %broadcast_in_dim3A_274 in 1 : vector<8192x64xf32>, vector<8192x1xf32>, vector<8192x1xf32>, vector<8192x1xf32>, vector<8192x1xf32>, vector<8192x1xf32>, vector<8192x1xf32>, vector<8192x2xf32> -> vector<8192x72xf32>
      %swap3A_279 = arith.constant 0 : index
      %swap3A_280 = arith.constant 0 : index
      %swap3A_281 = vector.load %arg8[%swap3A_279, %swap3A_280] : memref<8192x72xf32, #tpu.memory_space<vmem>>, vector<8192x72xf32>
      tpu.vector_store %arg8[%swap3A_279, %swap3A_280], %concatenate3A_278 {strides = array<i32>} : memref<8192x72xf32, #tpu.memory_space<vmem>>, vector<8192x72xf32>,
      %broadcast_in_dim3A_282 = arith.constant 0.000000e+00 : f32
      %broadcast_in_dim3A_283 = vector.broadcast %broadcast_in_dim3A_282 : f32 to vector<8192x64xf32>
      %concatenate3A_284 = tpu.concatenate %get3A_254, %broadcast_in_dim3A_283 in 1 : vector<8192x64xf32>, vector<8192x64xf32> -> vector<8192x128xf32>
      %swap3A_285 = arith.constant 0 : index
      %swap3A_286 = arith.constant 0 : index
      %swap3A_287 = vector.load %arg6[%swap3A_285, %swap3A_286] : memref<9216x128xf32, #tpu.memory_space<vmem>>, vector<8192x128xf32>
      tpu.vector_store %arg6[%swap3A_285, %swap3A_286], %concatenate3A_284 {strides = array<i32>} : memref<9216x128xf32, #tpu.memory_space<vmem>>, vector<8192x128xf32>,
      %broadcast_in_dim3A_288 = arith.constant 0.000000e+00 : f32
      %broadcast_in_dim3A_289 = vector.broadcast %broadcast_in_dim3A_288 : f32 to vector<1024x128xf32>
      %swap3A_290 = arith.constant 8192 : index
      %swap3A_291 = arith.constant 0 : index
      %swap3A_292 = vector.load %arg6[%swap3A_290, %swap3A_291] : memref<9216x128xf32, #tpu.memory_space<vmem>>, vector<1024x128xf32>
      tpu.vector_store %arg6[%swap3A_290, %swap3A_291], %broadcast_in_dim3A_289 {strides = array<i32>} : memref<9216x128xf32, #tpu.memory_space<vmem>>, vector<1024x128xf32>,
    } else {
    }
    %get3A = arith.constant 0 : index
    %get3A_2 = arith.constant 0 : index
    %get3A_3 = vector.load %arg1[%get3A, %get3A_2] : memref<2304x64xf32, #tpu.memory_space<vmem>>, vector<2304x64xf32>
    %transpose3A = tpu.transpose %get3A_3, [1, 0] : vector<2304x64xf32> -> vector<64x2304xf32>
    %mul3A = arith.mulf %transpose3A, %transpose3A : vector<64x2304xf32>
    %reduce_sum3A = arith.constant dense<0.000000e+00> : vector<2304xf32>
    %reduce_sum3A_4 = vector.multi_reduction <add>, %mul3A, %reduce_sum3A [0] : vector<64x2304xf32> to vector<2304xf32>
    %broadcast_in_dim3A = vector.shape_cast %reduce_sum3A_4 : vector<2304xf32> to vector<1x2304xf32>
    %bitcast_convert_type3A = tpu.bitcast %broadcast_in_dim3A : vector<1x2304xf32> -> vector<1x2304xi32>
    %and3A = arith.constant -65536 : i32
    %and3A_5 = vector.broadcast %and3A : i32 to vector<1x2304xi32>
    %and3A_6 = arith.andi %bitcast_convert_type3A, %and3A_5 : vector<1x2304xi32>
    %bitcast_convert_type3A_7 = tpu.bitcast %and3A_6 : vector<1x2304xi32> -> vector<1x2304xf32>
    %sub3A = arith.subf %broadcast_in_dim3A, %bitcast_convert_type3A_7 : vector<1x2304xf32>
    %bitcast_convert_type3A_8 = tpu.bitcast %sub3A : vector<1x2304xf32> -> vector<1x2304xi32>
    %and3A_9 = arith.constant -65536 : i32
    %and3A_10 = vector.broadcast %and3A_9 : i32 to vector<1x2304xi32>
    %and3A_11 = arith.andi %bitcast_convert_type3A_8, %and3A_10 : vector<1x2304xi32>
    %bitcast_convert_type3A_12 = tpu.bitcast %and3A_11 : vector<1x2304xi32> -> vector<1x2304xf32>
    %sub3A_13 = arith.subf %sub3A, %bitcast_convert_type3A_12 : vector<1x2304xf32>
    %broadcast_in_dim3A_14 = arith.constant 1.000000e+00 : f32
    %broadcast_in_dim3A_15 = vector.broadcast %broadcast_in_dim3A_14 : f32 to vector<1x2304xf32>
    %broadcast_in_dim3A_16 = arith.constant 0.000000e+00 : f32
    %broadcast_in_dim3A_17 = vector.broadcast %broadcast_in_dim3A_16 : f32 to vector<1x2304xf32>
    %concatenate3A = tpu.concatenate %transpose3A, %bitcast_convert_type3A_7, %bitcast_convert_type3A_12, %sub3A_13, %broadcast_in_dim3A_15, %broadcast_in_dim3A_15, %broadcast_in_dim3A_15, %broadcast_in_dim3A_17, %broadcast_in_dim3A_17 in 0 : vector<64x2304xf32>, vector<1x2304xf32>, vector<1x2304xf32>, vector<1x2304xf32>, vector<1x2304xf32>, vector<1x2304xf32>, vector<1x2304xf32>, vector<1x2304xf32>, vector<1x2304xf32> -> vector<72x2304xf32>
    %iota3A = tpu.iota {dimensions = array<i32: 0>} : vector<1024x2304xi32>
    %broadcast_in_dim3A_18 = arith.constant 0x7F800000 : f32
    %broadcast_in_dim3A_19 = vector.broadcast %broadcast_in_dim3A_18 : f32 to vector<1x2304xf32>
    %broadcast_in_dim3A_20 = arith.constant 0 : i32
    %broadcast_in_dim3A_21 = vector.broadcast %broadcast_in_dim3A_20 : i32 to vector<1x2304xi32>
    %get3A_22 = arith.constant 0 : index
    %get3A_23 = arith.constant 0 : index
    %get3A_24 = vector.load %arg8[%get3A_22, %get3A_23] : memref<8192x72xf32, #tpu.memory_space<vmem>>, vector<1024x72xf32>
    %dot_general3A = arith.constant dense<0.000000e+00> : vector<1024x2304xf32>
    %dot_general3A_25 = tpu.matmul %get3A_24, %concatenate3A, %dot_general3A {dimension_numbers = #tpu.dot_dimension_numbers<[1], [0], [0], [1], [0, 0, 1, 1], [], []>, transpose_lhs_hint = false} : vector<1024x72xf32>, vector<72x2304xf32>, vector<1024x2304xf32> -> vector<1024x2304xf32>
    %reduce_min3A = arith.constant dense<0x7F800000> : vector<2304xf32>
    %reduce_min3A_26 = vector.multi_reduction <minimumf>, %dot_general3A_25, %reduce_min3A [0] : vector<1024x2304xf32> to vector<2304xf32>
    %broadcast_in_dim3A_27 = vector.shape_cast %reduce_min3A_26 : vector<2304xf32> to vector<1x2304xf32>
    %eq3A_28 = vector.broadcast %broadcast_in_dim3A_27 : vector<1x2304xf32> to vector<1024x2304xf32>
    %eq3A_29 = arith.cmpf oeq, %dot_general3A_25, %eq3A_28 : vector<1024x2304xf32>
    %jit3A = arith.constant 1024 : i32
    %broadcast_in_dim3A_30 = vector.broadcast %jit3A : i32 to vector<1024x2304xi32>
    %select_n3A = arith.select %eq3A_29, %iota3A, %broadcast_in_dim3A_30 : vector<1024x2304xi1>, vector<1024x2304xi32>
    %reduce_min3A_31 = arith.constant dense<2147483647> : vector<2304xi32>
    %reduce_min3A_32 = vector.multi_reduction <minsi>, %select_n3A, %reduce_min3A_31 [0] : vector<1024x2304xi32> to vector<2304xi32>
    %broadcast_in_dim3A_33 = vector.shape_cast %reduce_min3A_32 : vector<2304xi32> to vector<1x2304xi32>
    %add3A = arith.constant 0 : i32
    %add3A_34 = vector.broadcast %add3A : i32 to vector<1x2304xi32>
    %add3A_35 = arith.addi %broadcast_in_dim3A_33, %add3A_34 : vector<1x2304xi32>
    %lt3A = arith.cmpf olt, %broadcast_in_dim3A_27, %broadcast_in_dim3A_19 : vector<1x2304xf32>
    %select_n3A_36 = arith.select %lt3A, %add3A_35, %broadcast_in_dim3A_21 : vector<1x2304xi1>, vector<1x2304xi32>
    %select_n3A_37 = arith.select %lt3A, %broadcast_in_dim3A_27, %broadcast_in_dim3A_19 : vector<1x2304xi1>, vector<1x2304xf32>
    %get3A_38 = arith.constant 1024 : index
    %get3A_39 = arith.constant 0 : index
    %get3A_40 = vector.load %arg8[%get3A_38, %get3A_39] : memref<8192x72xf32, #tpu.memory_space<vmem>>, vector<1024x72xf32>
    %dot_general3A_41 = arith.constant dense<0.000000e+00> : vector<1024x2304xf32>
    %dot_general3A_42 = tpu.matmul %get3A_40, %concatenate3A, %dot_general3A_41 {dimension_numbers = #tpu.dot_dimension_numbers<[1], [0], [0], [1], [0, 0, 1, 1], [], []>, transpose_lhs_hint = false} : vector<1024x72xf32>, vector<72x2304xf32>, vector<1024x2304xf32> -> vector<1024x2304xf32>
    %reduce_min3A_43 = arith.constant dense<0x7F800000> : vector<2304xf32>
    %reduce_min3A_44 = vector.multi_reduction <minimumf>, %dot_general3A_42, %reduce_min3A_43 [0] : vector<1024x2304xf32> to vector<2304xf32>
    %broadcast_in_dim3A_45 = vector.shape_cast %reduce_min3A_44 : vector<2304xf32> to vector<1x2304xf32>
    %eq3A_46 = vector.broadcast %broadcast_in_dim3A_45 : vector<1x2304xf32> to vector<1024x2304xf32>
    %eq3A_47 = arith.cmpf oeq, %dot_general3A_42, %eq3A_46 : vector<1024x2304xf32>
    %jit3A_48 = arith.constant 1024 : i32
    %broadcast_in_dim3A_49 = vector.broadcast %jit3A_48 : i32 to vector<1024x2304xi32>
    %select_n3A_50 = arith.select %eq3A_47, %iota3A, %broadcast_in_dim3A_49 : vector<1024x2304xi1>, vector<1024x2304xi32>
    %reduce_min3A_51 = arith.constant dense<2147483647> : vector<2304xi32>
    %reduce_min3A_52 = vector.multi_reduction <minsi>, %select_n3A_50, %reduce_min3A_51 [0] : vector<1024x2304xi32> to vector<2304xi32>
    %broadcast_in_dim3A_53 = vector.shape_cast %reduce_min3A_52 : vector<2304xi32> to vector<1x2304xi32>
    %add3A_54 = arith.constant 1024 : i32
    %add3A_55 = vector.broadcast %add3A_54 : i32 to vector<1x2304xi32>
    %add3A_56 = arith.addi %broadcast_in_dim3A_53, %add3A_55 : vector<1x2304xi32>
    %lt3A_57 = arith.cmpf olt, %broadcast_in_dim3A_45, %select_n3A_37 : vector<1x2304xf32>
    %select_n3A_58 = arith.select %lt3A_57, %add3A_56, %select_n3A_36 : vector<1x2304xi1>, vector<1x2304xi32>
    %select_n3A_59 = arith.select %lt3A_57, %broadcast_in_dim3A_45, %select_n3A_37 : vector<1x2304xi1>, vector<1x2304xf32>
    %get3A_60 = arith.constant 2048 : index
    %get3A_61 = arith.constant 0 : index
    %get3A_62 = vector.load %arg8[%get3A_60, %get3A_61] : memref<8192x72xf32, #tpu.memory_space<vmem>>, vector<1024x72xf32>
    %dot_general3A_63 = arith.constant dense<0.000000e+00> : vector<1024x2304xf32>
    %dot_general3A_64 = tpu.matmul %get3A_62, %concatenate3A, %dot_general3A_63 {dimension_numbers = #tpu.dot_dimension_numbers<[1], [0], [0], [1], [0, 0, 1, 1], [], []>, transpose_lhs_hint = false} : vector<1024x72xf32>, vector<72x2304xf32>, vector<1024x2304xf32> -> vector<1024x2304xf32>
    %reduce_min3A_65 = arith.constant dense<0x7F800000> : vector<2304xf32>
    %reduce_min3A_66 = vector.multi_reduction <minimumf>, %dot_general3A_64, %reduce_min3A_65 [0] : vector<1024x2304xf32> to vector<2304xf32>
    %broadcast_in_dim3A_67 = vector.shape_cast %reduce_min3A_66 : vector<2304xf32> to vector<1x2304xf32>
    %eq3A_68 = vector.broadcast %broadcast_in_dim3A_67 : vector<1x2304xf32> to vector<1024x2304xf32>
    %eq3A_69 = arith.cmpf oeq, %dot_general3A_64, %eq3A_68 : vector<1024x2304xf32>
    %jit3A_70 = arith.constant 1024 : i32
    %broadcast_in_dim3A_71 = vector.broadcast %jit3A_70 : i32 to vector<1024x2304xi32>
    %select_n3A_72 = arith.select %eq3A_69, %iota3A, %broadcast_in_dim3A_71 : vector<1024x2304xi1>, vector<1024x2304xi32>
    %reduce_min3A_73 = arith.constant dense<2147483647> : vector<2304xi32>
    %reduce_min3A_74 = vector.multi_reduction <minsi>, %select_n3A_72, %reduce_min3A_73 [0] : vector<1024x2304xi32> to vector<2304xi32>
    %broadcast_in_dim3A_75 = vector.shape_cast %reduce_min3A_74 : vector<2304xi32> to vector<1x2304xi32>
    %add3A_76 = arith.constant 2048 : i32
    %add3A_77 = vector.broadcast %add3A_76 : i32 to vector<1x2304xi32>
    %add3A_78 = arith.addi %broadcast_in_dim3A_75, %add3A_77 : vector<1x2304xi32>
    %lt3A_79 = arith.cmpf olt, %broadcast_in_dim3A_67, %select_n3A_59 : vector<1x2304xf32>
    %select_n3A_80 = arith.select %lt3A_79, %add3A_78, %select_n3A_58 : vector<1x2304xi1>, vector<1x2304xi32>
    %select_n3A_81 = arith.select %lt3A_79, %broadcast_in_dim3A_67, %select_n3A_59 : vector<1x2304xi1>, vector<1x2304xf32>
    %get3A_82 = arith.constant 3072 : index
    %get3A_83 = arith.constant 0 : index
    %get3A_84 = vector.load %arg8[%get3A_82, %get3A_83] : memref<8192x72xf32, #tpu.memory_space<vmem>>, vector<1024x72xf32>
    %dot_general3A_85 = arith.constant dense<0.000000e+00> : vector<1024x2304xf32>
    %dot_general3A_86 = tpu.matmul %get3A_84, %concatenate3A, %dot_general3A_85 {dimension_numbers = #tpu.dot_dimension_numbers<[1], [0], [0], [1], [0, 0, 1, 1], [], []>, transpose_lhs_hint = false} : vector<1024x72xf32>, vector<72x2304xf32>, vector<1024x2304xf32> -> vector<1024x2304xf32>
    %reduce_min3A_87 = arith.constant dense<0x7F800000> : vector<2304xf32>
    %reduce_min3A_88 = vector.multi_reduction <minimumf>, %dot_general3A_86, %reduce_min3A_87 [0] : vector<1024x2304xf32> to vector<2304xf32>
    %broadcast_in_dim3A_89 = vector.shape_cast %reduce_min3A_88 : vector<2304xf32> to vector<1x2304xf32>
    %eq3A_90 = vector.broadcast %broadcast_in_dim3A_89 : vector<1x2304xf32> to vector<1024x2304xf32>
    %eq3A_91 = arith.cmpf oeq, %dot_general3A_86, %eq3A_90 : vector<1024x2304xf32>
    %jit3A_92 = arith.constant 1024 : i32
    %broadcast_in_dim3A_93 = vector.broadcast %jit3A_92 : i32 to vector<1024x2304xi32>
    %select_n3A_94 = arith.select %eq3A_91, %iota3A, %broadcast_in_dim3A_93 : vector<1024x2304xi1>, vector<1024x2304xi32>
    %reduce_min3A_95 = arith.constant dense<2147483647> : vector<2304xi32>
    %reduce_min3A_96 = vector.multi_reduction <minsi>, %select_n3A_94, %reduce_min3A_95 [0] : vector<1024x2304xi32> to vector<2304xi32>
    %broadcast_in_dim3A_97 = vector.shape_cast %reduce_min3A_96 : vector<2304xi32> to vector<1x2304xi32>
    %add3A_98 = arith.constant 3072 : i32
    %add3A_99 = vector.broadcast %add3A_98 : i32 to vector<1x2304xi32>
    %add3A_100 = arith.addi %broadcast_in_dim3A_97, %add3A_99 : vector<1x2304xi32>
    %lt3A_101 = arith.cmpf olt, %broadcast_in_dim3A_89, %select_n3A_81 : vector<1x2304xf32>
    %select_n3A_102 = arith.select %lt3A_101, %add3A_100, %select_n3A_80 : vector<1x2304xi1>, vector<1x2304xi32>
    %select_n3A_103 = arith.select %lt3A_101, %broadcast_in_dim3A_89, %select_n3A_81 : vector<1x2304xi1>, vector<1x2304xf32>
    %get3A_104 = arith.constant 4096 : index
    %get3A_105 = arith.constant 0 : index
    %get3A_106 = vector.load %arg8[%get3A_104, %get3A_105] : memref<8192x72xf32, #tpu.memory_space<vmem>>, vector<1024x72xf32>
    %dot_general3A_107 = arith.constant dense<0.000000e+00> : vector<1024x2304xf32>
    %dot_general3A_108 = tpu.matmul %get3A_106, %concatenate3A, %dot_general3A_107 {dimension_numbers = #tpu.dot_dimension_numbers<[1], [0], [0], [1], [0, 0, 1, 1], [], []>, transpose_lhs_hint = false} : vector<1024x72xf32>, vector<72x2304xf32>, vector<1024x2304xf32> -> vector<1024x2304xf32>
    %reduce_min3A_109 = arith.constant dense<0x7F800000> : vector<2304xf32>
    %reduce_min3A_110 = vector.multi_reduction <minimumf>, %dot_general3A_108, %reduce_min3A_109 [0] : vector<1024x2304xf32> to vector<2304xf32>
    %broadcast_in_dim3A_111 = vector.shape_cast %reduce_min3A_110 : vector<2304xf32> to vector<1x2304xf32>
    %eq3A_112 = vector.broadcast %broadcast_in_dim3A_111 : vector<1x2304xf32> to vector<1024x2304xf32>
    %eq3A_113 = arith.cmpf oeq, %dot_general3A_108, %eq3A_112 : vector<1024x2304xf32>
    %jit3A_114 = arith.constant 1024 : i32
    %broadcast_in_dim3A_115 = vector.broadcast %jit3A_114 : i32 to vector<1024x2304xi32>
    %select_n3A_116 = arith.select %eq3A_113, %iota3A, %broadcast_in_dim3A_115 : vector<1024x2304xi1>, vector<1024x2304xi32>
    %reduce_min3A_117 = arith.constant dense<2147483647> : vector<2304xi32>
    %reduce_min3A_118 = vector.multi_reduction <minsi>, %select_n3A_116, %reduce_min3A_117 [0] : vector<1024x2304xi32> to vector<2304xi32>
    %broadcast_in_dim3A_119 = vector.shape_cast %reduce_min3A_118 : vector<2304xi32> to vector<1x2304xi32>
    %add3A_120 = arith.constant 4096 : i32
    %add3A_121 = vector.broadcast %add3A_120 : i32 to vector<1x2304xi32>
    %add3A_122 = arith.addi %broadcast_in_dim3A_119, %add3A_121 : vector<1x2304xi32>
    %lt3A_123 = arith.cmpf olt, %broadcast_in_dim3A_111, %select_n3A_103 : vector<1x2304xf32>
    %select_n3A_124 = arith.select %lt3A_123, %add3A_122, %select_n3A_102 : vector<1x2304xi1>, vector<1x2304xi32>
    %select_n3A_125 = arith.select %lt3A_123, %broadcast_in_dim3A_111, %select_n3A_103 : vector<1x2304xi1>, vector<1x2304xf32>
    %get3A_126 = arith.constant 5120 : index
    %get3A_127 = arith.constant 0 : index
    %get3A_128 = vector.load %arg8[%get3A_126, %get3A_127] : memref<8192x72xf32, #tpu.memory_space<vmem>>, vector<1024x72xf32>
    %dot_general3A_129 = arith.constant dense<0.000000e+00> : vector<1024x2304xf32>
    %dot_general3A_130 = tpu.matmul %get3A_128, %concatenate3A, %dot_general3A_129 {dimension_numbers = #tpu.dot_dimension_numbers<[1], [0], [0], [1], [0, 0, 1, 1], [], []>, transpose_lhs_hint = false} : vector<1024x72xf32>, vector<72x2304xf32>, vector<1024x2304xf32> -> vector<1024x2304xf32>
    %reduce_min3A_131 = arith.constant dense<0x7F800000> : vector<2304xf32>
    %reduce_min3A_132 = vector.multi_reduction <minimumf>, %dot_general3A_130, %reduce_min3A_131 [0] : vector<1024x2304xf32> to vector<2304xf32>
    %broadcast_in_dim3A_133 = vector.shape_cast %reduce_min3A_132 : vector<2304xf32> to vector<1x2304xf32>
    %eq3A_134 = vector.broadcast %broadcast_in_dim3A_133 : vector<1x2304xf32> to vector<1024x2304xf32>
    %eq3A_135 = arith.cmpf oeq, %dot_general3A_130, %eq3A_134 : vector<1024x2304xf32>
    %jit3A_136 = arith.constant 1024 : i32
    %broadcast_in_dim3A_137 = vector.broadcast %jit3A_136 : i32 to vector<1024x2304xi32>
    %select_n3A_138 = arith.select %eq3A_135, %iota3A, %broadcast_in_dim3A_137 : vector<1024x2304xi1>, vector<1024x2304xi32>
    %reduce_min3A_139 = arith.constant dense<2147483647> : vector<2304xi32>
    %reduce_min3A_140 = vector.multi_reduction <minsi>, %select_n3A_138, %reduce_min3A_139 [0] : vector<1024x2304xi32> to vector<2304xi32>
    %broadcast_in_dim3A_141 = vector.shape_cast %reduce_min3A_140 : vector<2304xi32> to vector<1x2304xi32>
    %add3A_142 = arith.constant 5120 : i32
    %add3A_143 = vector.broadcast %add3A_142 : i32 to vector<1x2304xi32>
    %add3A_144 = arith.addi %broadcast_in_dim3A_141, %add3A_143 : vector<1x2304xi32>
    %lt3A_145 = arith.cmpf olt, %broadcast_in_dim3A_133, %select_n3A_125 : vector<1x2304xf32>
    %select_n3A_146 = arith.select %lt3A_145, %add3A_144, %select_n3A_124 : vector<1x2304xi1>, vector<1x2304xi32>
    %select_n3A_147 = arith.select %lt3A_145, %broadcast_in_dim3A_133, %select_n3A_125 : vector<1x2304xi1>, vector<1x2304xf32>
    %get3A_148 = arith.constant 6144 : index
    %get3A_149 = arith.constant 0 : index
    %get3A_150 = vector.load %arg8[%get3A_148, %get3A_149] : memref<8192x72xf32, #tpu.memory_space<vmem>>, vector<1024x72xf32>
    %dot_general3A_151 = arith.constant dense<0.000000e+00> : vector<1024x2304xf32>
    %dot_general3A_152 = tpu.matmul %get3A_150, %concatenate3A, %dot_general3A_151 {dimension_numbers = #tpu.dot_dimension_numbers<[1], [0], [0], [1], [0, 0, 1, 1], [], []>, transpose_lhs_hint = false} : vector<1024x72xf32>, vector<72x2304xf32>, vector<1024x2304xf32> -> vector<1024x2304xf32>
    %reduce_min3A_153 = arith.constant dense<0x7F800000> : vector<2304xf32>
    %reduce_min3A_154 = vector.multi_reduction <minimumf>, %dot_general3A_152, %reduce_min3A_153 [0] : vector<1024x2304xf32> to vector<2304xf32>
    %broadcast_in_dim3A_155 = vector.shape_cast %reduce_min3A_154 : vector<2304xf32> to vector<1x2304xf32>
    %eq3A_156 = vector.broadcast %broadcast_in_dim3A_155 : vector<1x2304xf32> to vector<1024x2304xf32>
    %eq3A_157 = arith.cmpf oeq, %dot_general3A_152, %eq3A_156 : vector<1024x2304xf32>
    %jit3A_158 = arith.constant 1024 : i32
    %broadcast_in_dim3A_159 = vector.broadcast %jit3A_158 : i32 to vector<1024x2304xi32>
    %select_n3A_160 = arith.select %eq3A_157, %iota3A, %broadcast_in_dim3A_159 : vector<1024x2304xi1>, vector<1024x2304xi32>
    %reduce_min3A_161 = arith.constant dense<2147483647> : vector<2304xi32>
    %reduce_min3A_162 = vector.multi_reduction <minsi>, %select_n3A_160, %reduce_min3A_161 [0] : vector<1024x2304xi32> to vector<2304xi32>
    %broadcast_in_dim3A_163 = vector.shape_cast %reduce_min3A_162 : vector<2304xi32> to vector<1x2304xi32>
    %add3A_164 = arith.constant 6144 : i32
    %add3A_165 = vector.broadcast %add3A_164 : i32 to vector<1x2304xi32>
    %add3A_166 = arith.addi %broadcast_in_dim3A_163, %add3A_165 : vector<1x2304xi32>
    %lt3A_167 = arith.cmpf olt, %broadcast_in_dim3A_155, %select_n3A_147 : vector<1x2304xf32>
    %select_n3A_168 = arith.select %lt3A_167, %add3A_166, %select_n3A_146 : vector<1x2304xi1>, vector<1x2304xi32>
    %select_n3A_169 = arith.select %lt3A_167, %broadcast_in_dim3A_155, %select_n3A_147 : vector<1x2304xi1>, vector<1x2304xf32>
    %get3A_170 = arith.constant 7168 : index
    %get3A_171 = arith.constant 0 : index
    %get3A_172 = vector.load %arg8[%get3A_170, %get3A_171] : memref<8192x72xf32, #tpu.memory_space<vmem>>, vector<1024x72xf32>
    %dot_general3A_173 = arith.constant dense<0.000000e+00> : vector<1024x2304xf32>
    %dot_general3A_174 = tpu.matmul %get3A_172, %concatenate3A, %dot_general3A_173 {dimension_numbers = #tpu.dot_dimension_numbers<[1], [0], [0], [1], [0, 0, 1, 1], [], []>, transpose_lhs_hint = false} : vector<1024x72xf32>, vector<72x2304xf32>, vector<1024x2304xf32> -> vector<1024x2304xf32>
    %reduce_min3A_175 = arith.constant dense<0x7F800000> : vector<2304xf32>
    %reduce_min3A_176 = vector.multi_reduction <minimumf>, %dot_general3A_174, %reduce_min3A_175 [0] : vector<1024x2304xf32> to vector<2304xf32>
    %broadcast_in_dim3A_177 = vector.shape_cast %reduce_min3A_176 : vector<2304xf32> to vector<1x2304xf32>
    %eq3A_178 = vector.broadcast %broadcast_in_dim3A_177 : vector<1x2304xf32> to vector<1024x2304xf32>
    %eq3A_179 = arith.cmpf oeq, %dot_general3A_174, %eq3A_178 : vector<1024x2304xf32>
    %jit3A_180 = arith.constant 1024 : i32
    %broadcast_in_dim3A_181 = vector.broadcast %jit3A_180 : i32 to vector<1024x2304xi32>
    %select_n3A_182 = arith.select %eq3A_179, %iota3A, %broadcast_in_dim3A_181 : vector<1024x2304xi1>, vector<1024x2304xi32>
    %reduce_min3A_183 = arith.constant dense<2147483647> : vector<2304xi32>
    %reduce_min3A_184 = vector.multi_reduction <minsi>, %select_n3A_182, %reduce_min3A_183 [0] : vector<1024x2304xi32> to vector<2304xi32>
    %broadcast_in_dim3A_185 = vector.shape_cast %reduce_min3A_184 : vector<2304xi32> to vector<1x2304xi32>
    %add3A_186 = arith.constant 7168 : i32
    %add3A_187 = vector.broadcast %add3A_186 : i32 to vector<1x2304xi32>
    %add3A_188 = arith.addi %broadcast_in_dim3A_185, %add3A_187 : vector<1x2304xi32>
    %lt3A_189 = arith.cmpf olt, %broadcast_in_dim3A_177, %select_n3A_169 : vector<1x2304xf32>
    %select_n3A_190 = arith.select %lt3A_189, %add3A_188, %select_n3A_168 : vector<1x2304xi1>, vector<1x2304xi32>
    %select_n3A_191 = arith.select %lt3A_189, %broadcast_in_dim3A_177, %select_n3A_169 : vector<1x2304xi1>, vector<1x2304xf32>
    %get3A_192 = arith.constant 0 : index
    %get3A_193 = arith.constant 0 : index
    %get3A_194 = arith.constant 0 : index
    %get3A_195 = vector.load %arg3[%get3A_192, %get3A_193, %get3A_194] : memref<1x1x2304xi32, #tpu.memory_space<vmem>>, vector<1x1x2304xi32>
    %get3A_196 = vector.shape_cast %get3A_195 : vector<1x1x2304xi32> to vector<2304xi32>
    %get3A_197 = arith.constant dense<0> : vector<2304xi32>
    %get3A_198 = arith.cmpi ne, %get3A_196, %get3A_197 : vector<2304xi32>
    %convert_element_type3A_199 = arith.extui %get3A_198 : vector<2304xi1> to vector<2304xi32>
    %squeeze3A = vector.shape_cast %select_n3A_190 : vector<1x2304xi32> to vector<2304xi32>
    %mul3A_200 = arith.muli %squeeze3A, %convert_element_type3A_199 : vector<2304xi32>
    %swap3A = arith.constant 0 : index
    %swap3A_201 = arith.constant 0 : index
    %swap3A_202 = arith.constant 0 : index
    %swap3A_203 = vector.load %arg4[%swap3A, %swap3A_201, %swap3A_202] : memref<1x1x2304xi32, #tpu.memory_space<vmem>>, vector<1x1x2304xi32>
    %swap3A_204 = vector.shape_cast %swap3A_203 : vector<1x1x2304xi32> to vector<2304xi32>
    %swap3A_205 = vector.shape_cast %mul3A_200 : vector<2304xi32> to vector<1x1x2304xi32>
    tpu.vector_store %arg4[%swap3A, %swap3A_201, %swap3A_202], %swap3A_205 {strides = array<i32>} : memref<1x1x2304xi32, #tpu.memory_space<vmem>>, vector<1x1x2304xi32>,
    %ne3A = arith.constant 0 : i32
    %ne3A_206 = vector.broadcast %ne3A : i32 to vector<2304xi32>
    %ne3A_207 = arith.cmpi ne, %convert_element_type3A_199, %ne3A_206 : vector<2304xi32>
    %jit3A_208 = arith.constant 8192 : i32
    %broadcast_in_dim3A_209 = vector.broadcast %jit3A_208 : i32 to vector<2304xi32>
    %select_n3A_210 = arith.select %ne3A_207, %squeeze3A, %broadcast_in_dim3A_209 : vector<2304xi1>, vector<2304xi32>
    %swap3A_211 = arith.constant 0 : index
    %swap3A_212 = arith.constant 0 : index
    %swap3A_213 = arith.constant 0 : index
    %swap3A_214 = vector.load %arg5[%swap3A_211, %swap3A_212, %swap3A_213] : memref<1x1x2304xi32, #tpu.memory_space<vmem>>, vector<1x1x2304xi32>
    %swap3A_215 = vector.shape_cast %swap3A_214 : vector<1x1x2304xi32> to vector<2304xi32>
    %swap3A_216 = vector.shape_cast %select_n3A_210 : vector<2304xi32> to vector<1x1x2304xi32>
    tpu.vector_store %arg5[%swap3A_211, %swap3A_212, %swap3A_213], %swap3A_216 {strides = array<i32>} : memref<1x1x2304xi32, #tpu.memory_space<vmem>>, vector<1x1x2304xi32>,
    %convert_element_type3A_217 = arith.sitofp %convert_element_type3A_199 : vector<2304xi32> to vector<2304xf32>
    %squeeze3A_218 = vector.shape_cast %select_n3A_191 : vector<1x2304xf32> to vector<2304xf32>
    %max3A = arith.constant 0.000000e+00 : f32
    %max3A_219 = vector.broadcast %max3A : f32 to vector<2304xf32>
    %max3A_220 = arith.maximumf %squeeze3A_218, %max3A_219 : vector<2304xf32>
    %eq3A_221 = arith.constant 0 : i32
    %eq3A_222 = arith.cmpi eq, %arg0, %eq3A_221 : i32
    %convert_element_type3A_223 = arith.extui %eq3A_222 : i1 to i32
    %cond3A_224 = arith.constant 0 : i32
    %cond3A_225 = arith.cmpi ne, %convert_element_type3A_223, %cond3A_224 : i32
    scf.if %cond3A_225 {
      %swap3A_252 = arith.constant 0.000000e+00 : f32
      %swap3A_253 = arith.constant 0 : index
      %swap3A_254 = memref.load %arg9[%swap3A_253] : memref<2xf32, #tpu.memory_space<smem>>
      memref.store %swap3A_252, %arg9[%swap3A_253] : memref<2xf32, #tpu.memory_space<smem>>
      %swap3A_255 = arith.constant 0.000000e+00 : f32
      %swap3A_256 = arith.constant 1 : index
      %swap3A_257 = memref.load %arg9[%swap3A_256] : memref<2xf32, #tpu.memory_space<smem>>
      memref.store %swap3A_255, %arg9[%swap3A_256] : memref<2xf32, #tpu.memory_space<smem>>
    } else {
    }
    %get3A_226 = arith.constant 0 : index
    %get3A_227 = memref.load %arg9[%get3A_226] : memref<2xf32, #tpu.memory_space<smem>>
    %mul3A_228 = arith.mulf %max3A_220, %convert_element_type3A_217 : vector<2304xf32>
    %reduce_sum3A_229 = vector.shape_cast %mul3A_228 : vector<2304xf32> to vector<1x2304xf32>
    %reduce_sum3A_230 = arith.constant dense<0.000000e+00> : vector<1xf32>
    %reduce_sum3A_231 = vector.multi_reduction <add>, %reduce_sum3A_229, %reduce_sum3A_230 [1] : vector<1x2304xf32> to vector<1xf32>
    %reduce_sum3A_232 = vector.shape_cast %reduce_sum3A_231 : vector<1xf32> to vector<1x1xf32>
    %reduce_sum3A_233 = vector.extract %reduce_sum3A_232[0, 0] : f32 from vector<1x1xf32>
    %add3A_234 = arith.addf %get3A_227, %reduce_sum3A_233 : f32
    %swap3A_235 = arith.constant 0 : index
    %swap3A_236 = memref.load %arg9[%swap3A_235] : memref<2xf32, #tpu.memory_space<smem>>
    memref.store %add3A_234, %arg9[%swap3A_235] : memref<2xf32, #tpu.memory_space<smem>>
    %get3A_237 = arith.constant 1 : index
    %get3A_238 = memref.load %arg9[%get3A_237] : memref<2xf32, #tpu.memory_space<smem>>
    %reduce_sum3A_239 = vector.shape_cast %convert_element_type3A_217 : vector<2304xf32> to vector<1x2304xf32>
    %reduce_sum3A_240 = arith.constant dense<0.000000e+00> : vector<1xf32>
    %reduce_sum3A_241 = vector.multi_reduction <add>, %reduce_sum3A_239, %reduce_sum3A_240 [1] : vector<1x2304xf32> to vector<1xf32>
    %reduce_sum3A_242 = vector.shape_cast %reduce_sum3A_241 : vector<1xf32> to vector<1x1xf32>
    %reduce_sum3A_243 = vector.extract %reduce_sum3A_242[0, 0] : f32 from vector<1x1xf32>
    %add3A_244 = arith.addf %get3A_238, %reduce_sum3A_243 : f32
    %swap3A_245 = arith.constant 1 : index
    %swap3A_246 = memref.load %arg9[%swap3A_245] : memref<2xf32, #tpu.memory_space<smem>>
    memref.store %add3A_244, %arg9[%swap3A_245] : memref<2xf32, #tpu.memory_space<smem>>
    %eq3A_247 = arith.constant 3 : i32
    %eq3A_248 = arith.cmpi eq, %arg0, %eq3A_247 : i32
    %convert_element_type3A_249 = arith.extui %eq3A_248 : i1 to i32
    %cond3A_250 = arith.constant 0 : i32
    %cond3A_251 = arith.cmpi ne, %convert_element_type3A_249, %cond3A_250 : i32
    scf.if %cond3A_251 {
      %get3A_252 = arith.constant 0 : index
      %get3A_253 = memref.load %arg9[%get3A_252] : memref<2xf32, #tpu.memory_space<smem>>
      %mul3A_254 = arith.constant 0.01953125 : f32
      %mul3A_255 = arith.mulf %get3A_253, %mul3A_254 : f32
      %get3A_256 = arith.constant 1 : index
      %get3A_257 = memref.load %arg9[%get3A_256] : memref<2xf32, #tpu.memory_space<smem>>
      %max3A_258 = arith.constant 1.000000e+00 : f32
      %max3A_259 = arith.maximumf %get3A_257, %max3A_258 : f32
      %div3A = arith.divf %mul3A_255, %max3A_259 : f32
      %swap3A_260 = arith.constant 0 : index
      %swap3A_261 = arith.constant 0 : index
      %swap3A_262 = memref.load %arg7[%swap3A_260, %swap3A_261] : memref<1x1xf32, #tpu.memory_space<smem>>
      memref.store %div3A, %arg7[%swap3A_260, %swap3A_261] : memref<1x1xf32, #tpu.memory_space<smem>>
    } else {
    }
    return
  }
  func.func @transform_0(%arg0: i32) -> (i32, i32) {
    %c0_i32 = arith.constant 0 : i32
    %c0_i32_0 = arith.constant 0 : i32
    return %arg0, %c0_i32 : i32, i32
  }
  func.func @transform_1(%arg0: i32) -> (i32, i32) {
    %c0_i32 = arith.constant 0 : i32
    %c0_i32_0 = arith.constant 0 : i32
    %c0_i32_1 = arith.constant 0 : i32
    return %c0_i32, %c0_i32_0 : i32, i32
  }
  func.func @transform_2(%arg0: i32) -> (i32, i32, i32) {
    %c0_i32 = arith.constant 0 : i32
    %c0_i32_0 = arith.constant 0 : i32
    %c0_i32_1 = arith.constant 0 : i32
    return %arg0, %c0_i32, %c0_i32_0 : i32, i32, i32
  }
  func.func @transform_3(%arg0: i32) -> (i32, i32, i32) {
    %c0_i32 = arith.constant 0 : i32
    %c0_i32_0 = arith.constant 0 : i32
    %c0_i32_1 = arith.constant 0 : i32
    return %arg0, %c0_i32, %c0_i32_0 : i32, i32, i32
  }
  func.func @transform_4(%arg0: i32) -> (i32, i32, i32) {
    %c0_i32 = arith.constant 0 : i32
    %c0_i32_0 = arith.constant 0 : i32
    %c0_i32_1 = arith.constant 0 : i32
    return %arg0, %c0_i32, %c0_i32_0 : i32, i32, i32
  }
  func.func @transform_5(%arg0: i32) -> (i32, i32) {
    %c0_i32 = arith.constant 0 : i32
    %c0_i32_0 = arith.constant 0 : i32
    %c0_i32_1 = arith.constant 0 : i32
    return %c0_i32, %c0_i32_0 : i32, i32
  }
  func.func @transform_6(%arg0: i32) -> (i32, i32) {
    %c0_i32 = arith.constant 0 : i32
    %c0_i32_0 = arith.constant 0 : i32
    %c0_i32_1 = arith.constant 0 : i32
    return %c0_i32, %c0_i32_0 : i32, i32
  }
}

</mosaic_0001>

<sc_bundles>
// kernel: kernel.4.cloned.1.call-start
scs
__scs_entry_jumppad:
0x0: {  	(pc) =	sbr.rel $0x88, $3  }
0x1: {  	(tag) =	ssettag $0x0;
	lr =	simm.s32 $0x1  }
0x2: {  	[smem:$0x3F9E] =	sst lr;
	_ =	strace $0xD0000000  }
0x3: {  	_ = 	snop  }
0x4: {  	_ = 	snop  }
0x5: {  	_ = 	snop  }
0x6: {  	_ = 	snop  }
0x7: {  	_ = 	snop  }
__scs_overlays_trampoline_lowered:
0x8: {  	[smem:$0x3FAD] =	sst s0  }
0x9: {  	[smem:$0x3FAE] =	sst s1  }
0xa: {  	[smem:$0x3FAF] =	sst s2  }
0xb: {  	[smem:$0x3FB0] =	sst s3  }
0xc: {  	[smem:$0x3FB1] =	sst s4  }
0xd: {  	[smem:$0x3FB2] =	sst s5  }
0xe: {  	[smem:$0x3FB3] =	sst s6  }
0xf: {  	[smem:$0x3FB4] =	sst s7  }
0x10: {  	[smem:$0x3FB5] =	sst s8  }
0x11: {  	[smem:$0x3FB6] =	sst s9;
	s0 =	simm.s32 @!p0 $0x0  }
0x12: {  	s1 =	sld [smem:$0x3F9C];
	s0 =	simm.s32 @p0 $0x1  }
0x13: {  	[smem:$0x3FB7] =	sst s0;
	s0 =	simm.s32 @!p1 $0x0  }
0x14: {  	s2 =	sld [smem:$0x3F9B];
	s0 =	simm.s32 @p1 $0x1  }
0x15: {  	[smem:$0x3FB8] =	sst s0;
	s0 =	simm.s32 @!p2 $0x0  }
0x16: {  	s3 =	sld [smem:$0x3FDB];
	s0 =	simm.s32 @p2 $0x1  }
0x17: {  	s4 =	simm.s32 $0x1BF5;
	[smem:$0x3FBA] =	sst s0  }
0x18: {  	s0 =	sld [smem:$0x3F9D];
	_ =	swait.ge [sflag:s4], $0x0  }
0x19: {  	s7 =	sld [smem:$0x3F9E]  }
0x1a: {  	s8 =	sadd.s32 $0xFFFFE003, lr  }
0x1b: {  	s9 =	sadd.s32 $0xFFFFFEF7, lr;
	s5 =	simm.s32 $0xFFFFFFFF;
	p2 =	slt.u32 s8, $0xFFFFF086  }
0x1c: {  	p1 =	slt.u32 s9, $0xF7A;
	s5 =	simm.s32 @!p2 $0x0  }
0x1d: {  	s5 =	simm.s32 @p1 $0x1;
	p0 =	seq.s32 s7, s2  }
0x1e: {  	s7 =	smul.u32 @!p0 $0xF7A, s2;
	p2 =	seq.s32 @!p0 s5, $0x0  }
0x1f: {  	s9 =	smul.u32 $0xF7A, s1;
	s8 =	simm.s32 @!p0 $0x1BF5;
	p2 =	por !p2, p0  }
0x20: {  	[sflag:s8] =	ssyncset.s32 @!p0 $0xFFFFF086;
	s6 =	sadd.s32 @!p0 s3, s7;
	s7 =	simm.s32 @!p0 $0x108  }
0x21: {  	s3 =	sadd.s32 s3, s9;
	s6 =	sadd.s32 @!p0 $0x88, s6;
	s7 =	simm.s32 @p2 $0x1082  }
0x22: {  	[simem:s7], [sflag:s8] =	dma.local @!p0 [hbm:s6], $0xF7A  }
0x23: {  	s9 =	sor.u32 $0xD0000000, s2;
	s6 =	simm.s32 $0x108;
	_ =	swait.ge @!p0 [sflag:s8], $0x0  }
0x24: {  	s3 =	sadd.s32 $0x88, s3;
	s6 =	simm.s32 @!p1 $0x1082;
	[sflag:s4] =	ssyncset.s32 $0xFFFFF086  }
0x25: {  	[simem:s6], [sflag:s4] =	dma.local [hbm:s3], $0xF7A  }
0x26: {  	[smem:$0x3F9E] =	sst s1;
	(tag) =	ssettag s2;
	_ =	strace s9  }
0x27: {  	s1 =	sld [smem:$0x3FAE]  }
0x28: {  	s2 =	sld [smem:$0x3FAF]  }
0x29: {  	s4 =	sld [smem:$0x3FB1]  }
0x2a: {  	p0 =	seq.s32 s5, $0x0;
	s5 =	sld [smem:$0x3FB2]  }
0x2b: {  	s6 =	sld [smem:$0x3FB3]  }
0x2c: {  	s7 =	sld [smem:$0x3FB4]  }
0x2d: {  	s3 =	simm.s32 $0x108;
	s8 =	sld [smem:$0x3FB5]  }
0x2e: {  	s3 =	simm.s32 @!p0 $0x1082;
	s9 =	sld [smem:$0x3FB6]  }
0x2f: {  	lr =	sadd.s32 s0, s3;
	s0 =	sld [smem:$0x3FAD]  }
0x30: {  	s3 =	sld [smem:$0x3FB0]  }
0x31: {  	[smem:$0x3FB9] =	sst s10  }
0x32: {  	s10 =	sld [smem:$0x3FB7];
	_ =	sdelay $0x3  }
0x33: {  	p0 =	seq.s32 s10, $0x1;
	s10 =	sld [smem:$0x3FB9];
	_ =	sdelay $0x3  }
0x34: {  	[smem:$0x3FB9] =	sst s10  }
0x35: {  	s10 =	sld [smem:$0x3FB8];
	_ =	sdelay $0x3  }
0x36: {  	p1 =	seq.s32 s10, $0x1;
	s10 =	sld [smem:$0x3FB9];
	_ =	sdelay $0x3  }
0x37: {  	[smem:$0x3FB9] =	sst s10  }
0x38: {  	s10 =	sld [smem:$0x3FBA]  }
0x39: {  	_ = 	snop;
	(pc) =	sbr.ind lr, $3  }
0x3a: {  	_ = 	snop  }
0x3b: {  	_ = 	snop  }
0x3c: {  	p2 =	seq.s32 s10, $0x1;
	s10 =	sld [smem:$0x3FB9]  }
0x3d: {  	_ =	shalt  }
0x3e: {  	_ =	shalt  }
0x3f: {  	_ =	shalt  }
0x40: {  	_ =	shalt  }
0x41: {  	_ =	shalt  }
0x42: {  	_ =	shalt  }
0x43: {  	_ =	shalt  }
0x44: {  	_ =	shalt  }
0x45: {  	_ =	shalt  }
0x46: {  	_ =	shalt  }
0x47: {  	_ =	shalt  }
0x48: {  	_ =	shalt  }
0x49: {  	_ =	shalt  }
0x4a: {  	_ =	shalt  }
0x4b: {  	_ =	shalt  }
0x4c: {  	_ =	shalt  }
0x4d: {  	_ =	shalt  }
0x4e: {  	_ =	shalt  }
0x4f: {  	_ =	shalt  }
0x50: {  	_ =	shalt  }
0x51: {  	_ =	shalt  }
0x52: {  	_ =	shalt  }
0x53: {  	_ =	shalt  }
0x54: {  	_ =	shalt  }
0x55: {  	_ =	shalt  }
0x56: {  	_ =	shalt  }
0x57: {  	_ =	shalt  }
0x58: {  	_ =	shalt  }
0x59: {  	_ =	shalt  }
0x5a: {  	_ =	shalt  }
0x5b: {  	_ =	shalt  }
0x5c: {  	_ =	shalt  }
0x5d: {  	_ =	shalt  }
0x5e: {  	_ =	shalt  }
0x5f: {  	_ =	shalt  }
0x60: {  	_ =	shalt  }
0x61: {  	_ =	shalt  }
0x62: {  	_ =	shalt  }
0x63: {  	_ =	shalt  }
0x64: {  	_ =	shalt  }
0x65: {  	_ =	shalt  }
0x66: {  	_ =	shalt  }
0x67: {  	_ =	shalt  }
0x68: {  	_ =	shalt  }
0x69: {  	_ =	shalt  }
0x6a: {  	_ =	shalt  }
0x6b: {  	_ =	shalt  }
0x6c: {  	_ =	shalt  }
0x6d: {  	_ =	shalt  }
0x6e: {  	_ =	shalt  }
0x6f: {  	_ =	shalt  }
0x70: {  	_ =	shalt  }
0x71: {  	_ =	shalt  }
0x72: {  	_ =	shalt  }
0x73: {  	_ =	shalt  }
0x74: {  	_ =	shalt  }
0x75: {  	_ =	shalt  }
0x76: {  	_ =	shalt  }
0x77: {  	_ =	shalt  }
0x78: {  	_ =	shalt  }
0x79: {  	_ =	shalt  }
0x7a: {  	_ =	shalt  }
0x7b: {  	_ =	shalt  }
0x7c: {  	_ =	shalt  }
0x7d: {  	_ =	shalt  }
0x7e: {  	_ =	shalt  }
0x7f: {  	_ =	shalt  }
0x80: {  	_ =	shalt  }
0x81: {  	_ =	shalt  }
0x82: {  	_ =	shalt  }
0x83: {  	_ =	shalt  }
0x84: {  	_ =	shalt  }
0x85: {  	_ =	shalt  }
0x86: {  	_ =	shalt  }
0x87: {  	_ =	shalt  }
.Lfunc_end0:
.L_simem_size_0:
called_computation_lowered:
.L_overlay_start_0:
0x88: {  	s2 =	sld [smem:$0x3FD9]  }
0x89: {  	s3 =	sld [smem:$0x3FFE];
	_ =	sdelay $0x1  }
0x8a: {  	s1 =	srdreg.scid  }
0x8b: {  	s0 =	sand.u32 $0x1, s1  }
0x8c: {  	s14 =	sshll.u32 s0, $0xA;
	s2 =	sadd.s32 s3, s2  }
0x8d: {  	s2 =	sadd.s32 s2, s14  }
0x8e: {  	[smem:$0x3FC5] =	sst s2  }
0x8f: {  	_ = 	snop  }
0x90: {  	s2 =	sld [smem:$0x3FD0];
	_ =	sdelay $0x2  }
0x91: {  	s15 =	simm.s32 $0xA;
	s4 =	simm.s32 $0x10  }
0x92: {  	[smem:s4], [sflag:s15] =	dma.local [hbm:s2], $0x1  }
0x93: {  	_ =	swait.eq [sflag:s15], $0x1  }
0x94: {  	[sflag:s15] =	ssyncset.done $0x0  }
0x95: {  	[sflag:s15] =	ssyncadd.s32 $0xFFFFFFFF  }
0x96: {  	s16 =	sld [smem:$0x11];
	(tm) =	ssettm $0x1  }
0x97: {  	s17 =	sld [smem:$0x3FFB];
	_ =	sdelay $0x3  }
0x98: {  	_ =	strace s17  }
0x99: {  	s3 =	sld [smem:$0x3FFC];
	_ =	sdelay $0x3  }
0x9a: {  	_ =	strace s3  }
0x9b: {  	s3 =	sld [smem:$0x3FFD];
	_ =	sdelay $0x3  }
0x9c: {  	_ =	strace s3  }
0x9d: {  	_ =	strace $0x8FFFFFFF  }
0x9e: {  	s18 =	sld [smem:$0x3FDB];
	_ =	sdelay $0x1  }
0x9f: {  	s19 =	simm.s32 $_scs_section_size  }
0xa0: {  	s5 =	simm.s32 $_size__tile_overlayer_lowered;
	s6 =	simm.s32 $_tile_overlayer_lowered  }
0xa1: {  	s22 =	simm.s32 $0x1BFF;
	s21 =	sshll.u32 s6, $0x1;
	s3 =	sadd.s32 s19, s18  }
0xa2: {  	s7 =	simm.s32 $0x0;
	s20 =	sshll.u32 s5, $0x1;
	s5 =	sadd.s32 s21, s3  }
0xa3: {  	[timem:s7], [sflag:s22] =	dma.local [hbm:s5], s20  }
0xa4: {  	_ =	swait.ge [sflag:s22], s20  }
0xa5: {  	s4 =	ssub.s32 $0x0, s20;
	[sflag:s22] =	ssyncset.done $0x0  }
0xa6: {  	[sflag:s22] =	ssyncadd.s32 s4;
	_ =	sdelay $0x1  }
0xa7: {  	s23 =	simm.s32 $0x1B8B  }
0xa8: {  	_ =	swait.ge [sflag:s23], $0x1  }
0xa9: {  	[sflag:s23] =	ssyncset.done $0x0  }
0xaa: {  	s25 =	simm.s32 $0x1B8E;
	s24 =	sld [smem:$0x3FFE];
	[sflag:s23] =	ssyncadd.s32 $0xFFFFFFFF  }
0xab: {  	s26 =	simm.s32 $execute0_lowered;
	[smem:$0x3FD2] =	sst s25  }
0xac: {  	s5 =	sshll.u32 s26, $0x1;
	_ =	strace $0x80000046;
	[dreg:$0x1] =	wrdreg $0xFFFFFFFF  }
0xad: {  	s28 =	simm.s32 $_size_execute0_lowered;
	s3 =	sadd.s32 s3, s5;
	[dreg:$0x0] =	wrdreg $0x0  }
0xae: {  	s5 =	sshll.u32 s28, $0x1;
	[dreg:$0x2] =	wrdreg s3  }
0xaf: {  	[dreg:$0x3] =	wrdreg s5  }
0xb0: {  	[dreg:$0x4] =	wrdreg $0xC0  }
0xb1: {  	_ =	task [dreg:s7], $0x5FFFF  }
0xb2: {  	[dreg:$0x1] =	wrdreg $0xFFFFFFFF  }
0xb3: {  	[dreg:$0x0] =	wrdreg $0x60  }
0xb4: {  	[dreg:$0x2] =	wrdreg s24  }
0xb5: {  	[dreg:$0x3] =	wrdreg s16  }
0xb6: {  	[dreg:$0x4] =	wrdreg $0x9  }
0xb7: {  	_ =	task.clear_ibuf [dreg:s7], $0x5FFFF;
	_ =	strace $0x90000046  }
0xb8: {  	s29 =	simm.s32 $0x9;
	_ =	strace $0x80000048  }
0xb9: {  	_ =	swait.ge [sflag:s29], $0x1  }
0xba: {  	[sflag:s29] =	ssyncadd.s32 $0xFFFFFFFF  }
0xbb: {  	_ =	strace $0x90000048  }
0xbc: {  	_ =	sfence  }
0xbd: {  	s30 =	sld [smem:$0x0];
	_ =	sdelay $0x2  }
0xbe: {  	s31 =	sshll.u32 s1, $0xD;
	s1 =	sshrl.u32 s1, $0x2  }
0xbf: {  	s3 =	sand.u32 $0x4000, s31;
	s1 =	sadd.s32 s1, s30  }
0xc0: {  	s0 =	sor.u32 s3, s0;
	s1 =	sshll.u32 s1, $0x11  }
0xc1: {  	s0 =	sor.u32 s1, s0  }
0xc2: {  	s0 =	sadd.s32 $0x8F2B, s0  }
0xc3: {  	[sflag:s0] =	ssyncadd.remote.s32 $0x1  }
0xc4: {  	_ =	sfence.sel $0xFFFF  }
0xc5: {  	[dreg:$0x0] =	wrdreg $0xFFFFFFFF;
	(pc) =	sbr.abs _section_cstart, $3  }
0xc6: {  	[dreg:$0x1] =	wrdreg $0xFFFFFFFF  }
0xc7: {  	_ =	task.clear_ibuf [dreg:s7], $0x2FFFF;
	_ =	strace $0x9FFFFFFF  }
0xc8: {  	(tm) =	ssettm $0x7FFFFFFF  }
0xc9: {  	_ =	shalt  }
tec
execute0_lowered:
.L_overlay_start_1:
0x0: {  	(tag) =	ssettag $0x1  }
0x1: {  	s1 =	srdreg.scid  }
0x2: {  	s0 =	stileid.u32;
	s9 =	rddreg [dreg:$0x0]  }
0x3: {  	s3 =	rddreg [dreg:$0x1];
	s6 =	sand.u32 $0x1, s1;
	s30 =	sshll.u32 s0, $0x1  }
0x4: {  	s2 =	simm.s32 $0x0;
	s1 =	rddreg [dreg:$0x2];
	s7 =	sor.u32 s6, s30  }
0x5: {  	s8 =	simm.s32 $0x1;
	[smem:$0x7FF] =	sst s2;
	s4 =	smul.u32 $0x24, s7  }
0x6: {  	s5 =	sadd.s32 $0x800, s9;
	_ =	strace $0x80000047;
	s11 =	ssub.s32 $0x2, s6  }
0x7: {  	s6 =	simm.s32 $0x120;
	s4 =	sadd.s32 s3, s4;
	s3 =	simm.s32 $0x2  }
0x8: {  	[tilespmem:s2], [sflag:$0x2] =	stream.linear.gather [hbm4b:s4+s2], $0x120, $0x38;
	[tilespmem:$0x9180] =	vst v63  }
0x9: {  	s10 =	smul.u32 $0x1200, s7;
	s12 =	sshrl.u32 s11, $0x1;
	_ =	swait.ge [sflag:s3], $0x120  }
0xa: {  	s7 =	simm.s32 $0x180;
	s31 =	ssub.s32 s11, s12;
	[sflag:s3] =	ssyncset.done $0x0  }
0xb: {  	s9 =	sadd.s32 s10, s9;
	s10 =	smax.u32 s31, $0x1;
	[sflag:s3] =	ssyncadd.s32 $0xFFFFFEE0  }
0xc: {  	[tilespmem:s7], [sflag:$0x1] =	stream.indirect.gather [hbm4b:s5+s6], $0x80, s2, s6, $0xb8;
	[tilespmem:$0x9180] =	vst v63  }
0xd: {  	p0 =	sne.s32 s10, $0x1;
	_ =	swait.ge [sflag:s8], $0x9000  }
.Ltmp0:
0xe: {  	[sflag:s8] =	ssyncset.done $0x0;
	(pc) =	sbr.rel @!p0 .LBB2_2-.Ltmp0, $4  }
0xf: {  	s9 =	sadd.s32 $0x24800, s9;
	[sflag:s8] =	ssyncadd.s32 $0xFFFF7000  }
0x10: {  	[hbm4b:s9+s2] =	stream.linear.scatter [tilespmem:s7], [sflag:$0x2], $0x9000, $0x38;
	[tilespmem:$0x9180] =	vst v63  }
0x11: {  	_ =	swait.ge [sflag:s3], $0x9000  }
0x12: {  	s10 =	sadd.s32 $0xFFFFFFFF, s10;
	[sflag:s3] =	ssyncset.done $0x0  }
.LBB2_1:
0x13: {  	p0 =	sne.s32 s10, $0x1;
	s10 =	sadd.s32 $0xFFFFFFFF, s10;
	[sflag:s3] =	ssyncadd.s32 $0xFFFF7000  }
0x14: {  	[tilespmem:s2], [sflag:$0x2] =	stream.linear.gather [hbm4b:s4+s2], $0x120, $0x38;
	[tilespmem:$0x9180] =	vst v63  }
0x15: {  	_ =	swait.ge [sflag:s3], $0x120  }
0x16: {  	[sflag:s3] =	ssyncset.done $0x0  }
0x17: {  	[sflag:s3] =	ssyncadd.s32 $0xFFFFFEE0  }
0x18: {  	[tilespmem:s7], [sflag:$0x1] =	stream.indirect.gather [hbm4b:s5+s6], $0x80, s2, s6, $0xb8;
	[tilespmem:$0x9180] =	vst v63  }
0x19: {  	_ =	swait.ge [sflag:s8], $0x9000  }
.Ltmp1:
0x1a: {  	[sflag:s8] =	ssyncset.done $0x0;
	(pc) =	sbr.rel @p0 .LBB2_1-.Ltmp1, $4  }
0x1b: {  	[sflag:s8] =	ssyncadd.s32 $0xFFFF7000  }
0x1c: {  	[hbm4b:s9+s2] =	stream.linear.scatter [tilespmem:s7], [sflag:$0x2], $0x9000, $0x38;
	[tilespmem:$0x9180] =	vst v63  }
0x1d: {  	_ =	swait.ge [sflag:s3], $0x9000  }
0x1e: {  	[sflag:s3] =	ssyncset.done $0x0  }
.LBB2_2:
0x1f: {  	[sflag:s3] =	ssyncadd.s32 $0xFFFF7000  }
0x20: {  	_ =	sfence.sel $0x180000  }
0x21: {  	[bflag:$0x0] =	sbarrier.arrive $0xFFFF  }
0x22: {  	p0 =	sne.s32 s0, $0x0;
	_ =	strace $0x90000047  }
0x23: {  	s0 =	sadd.s32 @!p0 $0x100000, s1;
	[bflag:$0x2] =	sbarrier.arrive $0xFFFF  }
0x24: {  	[sflag:s0] =	ssyncadd.tile.s32 @!p0 $0x1;
	_ =	shalt  }
.Lfunc_end2:
_tile_overlayer_lowered:
.L_overlay_start_2:
0x25: {  	(tag) =	ssettag $0x2  }
0x26: {  	s0 =	rddreg [dreg:$0x0];
	s2 =	stileid.u32  }
0x27: {  	s1 =	rddreg [dreg:$0x1];
	p0 =	sne.s32 s2, $0x0  }
0x28: {  	s3 =	rddreg [dreg:$0x2];
	[bflag:$0x3] =	sbarrier.arrive $0xFFFF;
	s2 =	simm.s32 @!p0 $0x1C02  }
0x29: {  	[timem:s3], [sflag:s2] =	dma.local @!p0 [hbm:s0], s1  }
0x2a: {  	s0 =	simm.s32 @!p0 $0x2  }
0x2b: {  	_ =	swait.ge @!p0 [sflag:s0], s1  }
0x2c: {  	s1 =	ssub.s32 @!p0 $0x0, s1;
	[sflag:s0] =	ssyncset.done @!p0 $0x0  }
0x2d: {  	[sflag:s0] =	ssyncadd.s32 @!p0 s1  }
0x2e: {  	[bflag:$0x3] =	sbarrier.arrive $0xFFFF  }
0x2f: {  	_ =	shalt  }

</sc_bundles>
